<compile_context>
chip_gen: v7x
topology: tpu7x:2x2x1
jax: 0.10.2.dev20260603
libtpu: 0.0.44.dev20260713+nightly
codegen_flags: <defaults>
</compile_context>

<pallas_src>
import functools

import jax
import jax.numpy as jnp
from jax import lax
from jax.experimental import pallas as pl
from jax.experimental.pallas import tpu as pltpu
from jax.experimental.pallas import tpu_sc as plsc

_NC = 2
_NS = 16
_NW = _NC * _NS
_CH = 80


def _make_sc_lookup(E, D):
    per_w = E // _NW
    n_chunks = per_w // _CH
    n_outer = n_chunks // 4
    tail = n_chunks - n_outer * 4
    mesh = plsc.VectorSubcoreMesh(core_axis_name="c", subcore_axis_name="s")

    @functools.partial(
        pl.kernel,
        mesh=mesh,
        out_type=jax.ShapeDtypeStruct((E, D), jnp.float32),
        scratch_types=[
            pltpu.VMEM((per_w,), jnp.int32),
            pltpu.VMEM((per_w,), jnp.int32),
            pltpu.VMEM((per_w,), jnp.int32),
            pltpu.VMEM((per_w,), jnp.int32),
            pltpu.VMEM((2 * _CH, D), jnp.float32),
            pltpu.VMEM((2 * _CH, D), jnp.float32),
            pltpu.VMEM_SHARED((64, D), jnp.float32),
            pltpu.SemaphoreType.DMA,
            pltpu.SemaphoreType.DMA,
        ],
    )
    def lookup(lut_hbm, a0_hbm, a1_hbm, a2_hbm, out_hbm,
               a0_v, a1_v, a2_v, idx_v, rA, rB, lut_sp, gsem, wsem):
        sid = lax.axis_index("s")
        wid = sid * _NC + lax.axis_index("c")
        tile_base = wid * per_w

        @pl.when(sid == 0)
        def _stage_lut():
            pltpu.sync_copy(lut_hbm, lut_sp)

        pltpu.sync_copy(a0_hbm.at[pl.ds(tile_base, per_w)], a0_v)
        pltpu.sync_copy(a1_hbm.at[pl.ds(tile_base, per_w)], a1_v)
        pltpu.sync_copy(a2_hbm.at[pl.ds(tile_base, per_w)], a2_v)

        def idx_group(g):
            def body(j, carry):
                s = pl.ds(g * (4 * _CH) + j * 16, 16)
                idx_v[s] = a0_v[s] * 12 + a1_v[s] * 2 + a2_v[s]
                return carry
            lax.fori_loop(0, 4 * _CH // 16, body, 0)

        idx_group(0)
        for t in range(tail):
            c = n_outer * 4 + t
            def tail_body(j, carry, c=c):
                s = pl.ds(c * _CH + j * 16, 16)
                idx_v[s] = a0_v[s] * 12 + a1_v[s] * 2 + a2_v[s]
                return carry
            lax.fori_loop(0, _CH // 16, tail_body, 0)

        plsc.subcore_barrier()

        def gather(c, buf, half):
            return pltpu.async_copy(
                lut_sp.at[idx_v.at[pl.ds(c * _CH, _CH)]],
                buf.at[pl.ds(half * _CH, _CH)], gsem)

        def wait_gather(c, buf, half):
            pltpu.make_async_copy(
                lut_sp.at[idx_v.at[pl.ds(c * _CH, _CH)]],
                buf.at[pl.ds(half * _CH, _CH)], gsem).wait()

        def writeback(c, buf):
            return pltpu.async_copy(
                buf, out_hbm.at[pl.ds(tile_base + c * _CH, 2 * _CH)], wsem)

        def wait_writeback(c, buf):
            pltpu.make_async_copy(
                buf, out_hbm.at[pl.ds(tile_base + c * _CH, 2 * _CH)], wsem).wait()

        def outer_body(t, carry):
            c0 = t * 4
            gather(c0 + 0, rA, 0)
            gather(c0 + 1, rA, 1)

            @pl.when(t + 1 < n_outer)
            def _precompute_next_idx():
                idx_group(t + 1)

            @pl.when(t > 0)
            def _drain_prev():
                wait_writeback(c0 - 2, rB)

            wait_gather(c0 + 0, rA, 0)
            wait_gather(c0 + 1, rA, 1)
            writeback(c0 + 0, rA)

            gather(c0 + 2, rB, 0)
            gather(c0 + 3, rB, 1)
            wait_writeback(c0 + 0, rA)
            wait_gather(c0 + 2, rB, 0)
            wait_gather(c0 + 3, rB, 1)
            writeback(c0 + 2, rB)
            return carry

        lax.fori_loop(0, n_outer, outer_body, 0)

        wait_writeback(n_outer * 4 - 2, rB)

        for t in range(tail):
            c = n_outer * 4 + t
            gather(c, rA, 0).wait()
            pltpu.sync_copy(rA.at[pl.ds(0, _CH)],
                            out_hbm.at[pl.ds(tile_base + c * _CH, _CH)])

    return lookup


def kernel(edge_attr, W0, W1, W2):
    E = edge_attr.shape[0]
    D = W0.shape[1]
    lut = (W0[:, None, None, :] + W1[None, :, None, :]
           + W2[None, None, :, :]).reshape(-1, D)
    lut = jnp.pad(lut, ((0, 4), (0, 0)))
    ea = edge_attr.astype(jnp.int32)
    return _make_sc_lookup(E, D)(lut, ea[:, 0], ea[:, 1], ea[:, 2])

# --- scband reference (transcript-rebuilt; emitter-appended) ---
"""Pipeline reference for scband-bond-encoder-42700564856984 (READ-ONLY COPY).

The authoritative reference and input builder live on the scoring server;
editing this copy changes nothing except your own understanding.
"""

import jax, jax.numpy as jnp
import numpy as np

E = 320000
EMB_DIM = 128
FULL_BOND_FEATURE_DIMS = [5, 6, 2]

def _xavier_uniform(key, shape):
    fan_in, fan_out = shape[0], shape[1]
    limit = float(np.sqrt(6.0 / (fan_in + fan_out)))
    return jax.random.uniform(key, shape, dtype=jnp.float32, minval=-limit, maxval=limit)

def setup_inputs(seed: int = 0) -> dict:
    key = jax.random.key(seed)
    k_idx, k0, k1, k2 = jax.random.split(key, 4)
    edge_attr = jax.random.randint(k_idx, (E, 3), 0, 2, dtype=jnp.int64)
    W0 = _xavier_uniform(k0, (FULL_BOND_FEATURE_DIMS[0], EMB_DIM))
    W1 = _xavier_uniform(k1, (FULL_BOND_FEATURE_DIMS[1], EMB_DIM))
    W2 = _xavier_uniform(k2, (FULL_BOND_FEATURE_DIMS[2], EMB_DIM))
    return {"edge_attr": edge_attr, "W0": W0, "W1": W1, "W2": W2}

def reference(edge_attr, W0, W1, W2):
    # BondEncoder.forward: sum of per-feature embedding lookups
    bond_embedding = jnp.take(W0, edge_attr[..., 0], axis=0)
    bond_embedding = bond_embedding + jnp.take(W1, edge_attr[..., 1], axis=0)
    bond_embedding = bond_embedding + jnp.take(W2, edge_attr[..., 2], axis=0)
    return bond_embedding

if __name__ == "__main__":
    import jax
    _d = setup_inputs()
    print(jax.jit(kernel)(*tuple(_d.values())))

</pallas_src>

<mosaic_0001>
#map = affine_map<(d0, d1) -> (0, 0)>
#map1 = affine_map<(d0, d1) -> (0)>
module attributes {stable_mosaic.version = 14 : i64} {
  func.func @lookup(%arg0: i32, %arg1: i32, %arg2: memref<64x128xf32, #tpu.memory_space<hbm>>, %arg3: memref<320000xi32, #tpu.memory_space<hbm>>, %arg4: memref<320000xi32, #tpu.memory_space<hbm>>, %arg5: memref<320000xi32, #tpu.memory_space<hbm>>, %arg6: memref<320000x128xf32, #tpu.memory_space<hbm>>, %arg7: memref<10000xi32, #tpu.memory_space<vmem>>, %arg8: memref<10000xi32, #tpu.memory_space<vmem>>, %arg9: memref<10000xi32, #tpu.memory_space<vmem>>, %arg10: memref<10000xi32, #tpu.memory_space<vmem>>, %arg11: memref<160x128xf32, #tpu.memory_space<vmem>>, %arg12: memref<160x128xf32, #tpu.memory_space<vmem>>, %arg13: memref<64x128xf32, #tpu.memory_space<vmem_shared>>, %arg14: memref<!tpu.dma_semaphore, #tpu.memory_space<semaphore_mem>>, %arg15: memref<!tpu.dma_semaphore, #tpu.memory_space<semaphore_mem>>) attributes {dimension_semantics = [#tpu.dimension_semantics<core_parallel>, #tpu.dimension_semantics<subcore_parallel>], iteration_bounds = array<i64: 2, 16>, scalar_prefetch = 0 : i64, scratch_operands = 9 : i64, tpu.core_type = #tpu.core_type<sc_vector_subcore>, window_params = [{transform_indices = #map}, {transform_indices = #map1}, {transform_indices = #map1}, {transform_indices = #map1}, {transform_indices = #map}]} {
    %mul3A = arith.constant 2 : i32
    %mul3A_0 = arith.muli %arg1, %mul3A : i32
    %add3A = arith.addi %mul3A_0, %arg0 : i32
    %mul3A_1 = arith.constant 10000 : i32
    %mul3A_2 = arith.muli %add3A, %mul3A_1 : i32
    %eq3A = arith.constant 0 : i32
    %eq3A_3 = arith.cmpi eq, %arg1, %eq3A : i32
    %convert_element_type3A = arith.extui %eq3A_3 : i1 to i32
    %cond3A = arith.constant 0 : i32
    %cond3A_4 = arith.cmpi ne, %convert_element_type3A, %cond3A : i32
    scf.if %cond3A_4 {
      "tpu.region"() ({
        %run_scoped3A = tpu.sem_alloc : memref<!tpu.dma_semaphore, #tpu.memory_space<semaphore_mem>>
        tpu.enqueue_dma source(%arg2 : memref<64x128xf32, #tpu.memory_space<hbm>>) target(%arg13 : memref<64x128xf32, #tpu.memory_space<vmem_shared>>) target_semaphore(%run_scoped3A : memref<!tpu.dma_semaphore, #tpu.memory_space<semaphore_mem>>)
        tpu.wait_dma2 semaphore(%run_scoped3A : memref<!tpu.dma_semaphore, #tpu.memory_space<semaphore_mem>>) src(%arg2 : memref<64x128xf32, #tpu.memory_space<hbm>>) dst(%arg13 : memref<64x128xf32, #tpu.memory_space<vmem_shared>>)
        tpu.yield
      }) : () -> ()
    } else {
    }
    "tpu.region"() ({
      %run_scoped3A = tpu.sem_alloc : memref<!tpu.dma_semaphore, #tpu.memory_space<semaphore_mem>>
      %dma_start3A_44 = tpu.memref_slice %arg3[%mul3A_2] : memref<320000xi32, #tpu.memory_space<hbm>> -> memref<10000xi32, #tpu.memory_space<hbm>>
      %dma_start3A_45 = tpu.memref_slice %arg3[%mul3A_2] : memref<320000xi32, #tpu.memory_space<hbm>> -> memref<10000xi32, #tpu.memory_space<hbm>>
      tpu.enqueue_dma source(%dma_start3A_45 : memref<10000xi32, #tpu.memory_space<hbm>>) target(%arg7 : memref<10000xi32, #tpu.memory_space<vmem>>) target_semaphore(%run_scoped3A : memref<!tpu.dma_semaphore, #tpu.memory_space<semaphore_mem>>)
      %dma_wait3A_46 = tpu.memref_slice %arg3[%mul3A_2] : memref<320000xi32, #tpu.memory_space<hbm>> -> memref<10000xi32, #tpu.memory_space<hbm>>
      %dma_wait3A_47 = tpu.memref_slice %arg3[%mul3A_2] : memref<320000xi32, #tpu.memory_space<hbm>> -> memref<10000xi32, #tpu.memory_space<hbm>>
      tpu.wait_dma2 semaphore(%run_scoped3A : memref<!tpu.dma_semaphore, #tpu.memory_space<semaphore_mem>>) src(%dma_wait3A_47 : memref<10000xi32, #tpu.memory_space<hbm>>) dst(%arg7 : memref<10000xi32, #tpu.memory_space<vmem>>)
      tpu.yield
    }) : () -> ()
    "tpu.region"() ({
      %run_scoped3A = tpu.sem_alloc : memref<!tpu.dma_semaphore, #tpu.memory_space<semaphore_mem>>
      %dma_start3A_44 = tpu.memref_slice %arg4[%mul3A_2] : memref<320000xi32, #tpu.memory_space<hbm>> -> memref<10000xi32, #tpu.memory_space<hbm>>
      %dma_start3A_45 = tpu.memref_slice %arg4[%mul3A_2] : memref<320000xi32, #tpu.memory_space<hbm>> -> memref<10000xi32, #tpu.memory_space<hbm>>
      tpu.enqueue_dma source(%dma_start3A_45 : memref<10000xi32, #tpu.memory_space<hbm>>) target(%arg8 : memref<10000xi32, #tpu.memory_space<vmem>>) target_semaphore(%run_scoped3A : memref<!tpu.dma_semaphore, #tpu.memory_space<semaphore_mem>>)
      %dma_wait3A_46 = tpu.memref_slice %arg4[%mul3A_2] : memref<320000xi32, #tpu.memory_space<hbm>> -> memref<10000xi32, #tpu.memory_space<hbm>>
      %dma_wait3A_47 = tpu.memref_slice %arg4[%mul3A_2] : memref<320000xi32, #tpu.memory_space<hbm>> -> memref<10000xi32, #tpu.memory_space<hbm>>
      tpu.wait_dma2 semaphore(%run_scoped3A : memref<!tpu.dma_semaphore, #tpu.memory_space<semaphore_mem>>) src(%dma_wait3A_47 : memref<10000xi32, #tpu.memory_space<hbm>>) dst(%arg8 : memref<10000xi32, #tpu.memory_space<vmem>>)
      tpu.yield
    }) : () -> ()
    "tpu.region"() ({
      %run_scoped3A = tpu.sem_alloc : memref<!tpu.dma_semaphore, #tpu.memory_space<semaphore_mem>>
      %dma_start3A_44 = tpu.memref_slice %arg5[%mul3A_2] : memref<320000xi32, #tpu.memory_space<hbm>> -> memref<10000xi32, #tpu.memory_space<hbm>>
      %dma_start3A_45 = tpu.memref_slice %arg5[%mul3A_2] : memref<320000xi32, #tpu.memory_space<hbm>> -> memref<10000xi32, #tpu.memory_space<hbm>>
      tpu.enqueue_dma source(%dma_start3A_45 : memref<10000xi32, #tpu.memory_space<hbm>>) target(%arg9 : memref<10000xi32, #tpu.memory_space<vmem>>) target_semaphore(%run_scoped3A : memref<!tpu.dma_semaphore, #tpu.memory_space<semaphore_mem>>)
      %dma_wait3A_46 = tpu.memref_slice %arg5[%mul3A_2] : memref<320000xi32, #tpu.memory_space<hbm>> -> memref<10000xi32, #tpu.memory_space<hbm>>
      %dma_wait3A_47 = tpu.memref_slice %arg5[%mul3A_2] : memref<320000xi32, #tpu.memory_space<hbm>> -> memref<10000xi32, #tpu.memory_space<hbm>>
      tpu.wait_dma2 semaphore(%run_scoped3A : memref<!tpu.dma_semaphore, #tpu.memory_space<semaphore_mem>>) src(%dma_wait3A_47 : memref<10000xi32, #tpu.memory_space<hbm>>) dst(%arg9 : memref<10000xi32, #tpu.memory_space<vmem>>)
      tpu.yield
    }) : () -> ()
    %scan3A = arith.constant 0 : i32
    %scan3A_5 = arith.constant 0 : i32
    %scan3A_6 = arith.constant 20 : i32
    %scan3A_7 = arith.addi %scan3A_5, %scan3A_6 : i32
    %scan3A_8 = arith.constant 1 : i32
    scf.for %scan3A_44 = %scan3A_5 to %scan3A_7 step %scan3A_8  : i32 {
      %mul3A_45 = arith.constant 16 : i32
      %mul3A_46 = arith.muli %scan3A_44, %mul3A_45 : i32
      %add3A_47 = arith.constant 0 : i32
      %add3A_48 = arith.addi %add3A_47, %mul3A_46 : i32
      %get3A = arith.index_cast %add3A_48 : i32 to index
      %get3A_49 = tpu.vector_load %arg7[%get3A] {strides = array<i32>} : memref<10000xi32, #tpu.memory_space<vmem>>, vector<16xi32>,
      %get3A_50 = vector.shape_cast %get3A_49 : vector<16xi32> to vector<16xi32>
      %mul3A_51 = arith.constant 12 : i32
      %mul3A_52 = vector.broadcast %mul3A_51 : i32 to vector<16xi32>
      %mul3A_53 = arith.muli %get3A_50, %mul3A_52 : vector<16xi32>
      %get3A_54 = arith.index_cast %add3A_48 : i32 to index
      %get3A_55 = tpu.vector_load %arg8[%get3A_54] {strides = array<i32>} : memref<10000xi32, #tpu.memory_space<vmem>>, vector<16xi32>,
      %get3A_56 = vector.shape_cast %get3A_55 : vector<16xi32> to vector<16xi32>
      %mul3A_57 = arith.constant 2 : i32
      %mul3A_58 = vector.broadcast %mul3A_57 : i32 to vector<16xi32>
      %mul3A_59 = arith.muli %get3A_56, %mul3A_58 : vector<16xi32>
      %add3A_60 = arith.addi %mul3A_53, %mul3A_59 : vector<16xi32>
      %get3A_61 = arith.index_cast %add3A_48 : i32 to index
      %get3A_62 = tpu.vector_load %arg9[%get3A_61] {strides = array<i32>} : memref<10000xi32, #tpu.memory_space<vmem>>, vector<16xi32>,
      %get3A_63 = vector.shape_cast %get3A_62 : vector<16xi32> to vector<16xi32>
      %add3A_64 = arith.addi %add3A_60, %get3A_63 : vector<16xi32>
      %swap3A = arith.index_cast %add3A_48 : i32 to index
      %swap3A_65 = tpu.vector_load %arg10[%swap3A] {strides = array<i32>} : memref<10000xi32, #tpu.memory_space<vmem>>, vector<16xi32>,
      %swap3A_66 = vector.shape_cast %swap3A_65 : vector<16xi32> to vector<16xi32>
      %swap3A_67 = vector.shape_cast %add3A_64 : vector<16xi32> to vector<16xi32>
      tpu.vector_store %arg10[%swap3A], %swap3A_67 {strides = array<i32>} : memref<10000xi32, #tpu.memory_space<vmem>>, vector<16xi32>,
    }
    %scan3A_9 = arith.constant 20 : i32
    %scan3A_10 = arith.constant 0 : i32
    %scan3A_11 = arith.constant 0 : i32
    %scan3A_12 = arith.constant 5 : i32
    %scan3A_13 = arith.addi %scan3A_11, %scan3A_12 : i32
    %scan3A_14 = arith.constant 1 : i32
    scf.for %scan3A_44 = %scan3A_11 to %scan3A_13 step %scan3A_14  : i32 {
      %mul3A_45 = arith.constant 16 : i32
      %mul3A_46 = arith.muli %scan3A_44, %mul3A_45 : i32
      %add3A_47 = arith.constant 9920 : i32
      %add3A_48 = arith.addi %add3A_47, %mul3A_46 : i32
      %get3A = arith.index_cast %add3A_48 : i32 to index
      %get3A_49 = tpu.vector_load %arg7[%get3A] {strides = array<i32>} : memref<10000xi32, #tpu.memory_space<vmem>>, vector<16xi32>,
      %get3A_50 = vector.shape_cast %get3A_49 : vector<16xi32> to vector<16xi32>
      %mul3A_51 = arith.constant 12 : i32
      %mul3A_52 = vector.broadcast %mul3A_51 : i32 to vector<16xi32>
      %mul3A_53 = arith.muli %get3A_50, %mul3A_52 : vector<16xi32>
      %get3A_54 = arith.index_cast %add3A_48 : i32 to index
      %get3A_55 = tpu.vector_load %arg8[%get3A_54] {strides = array<i32>} : memref<10000xi32, #tpu.memory_space<vmem>>, vector<16xi32>,
      %get3A_56 = vector.shape_cast %get3A_55 : vector<16xi32> to vector<16xi32>
      %mul3A_57 = arith.constant 2 : i32
      %mul3A_58 = vector.broadcast %mul3A_57 : i32 to vector<16xi32>
      %mul3A_59 = arith.muli %get3A_56, %mul3A_58 : vector<16xi32>
      %add3A_60 = arith.addi %mul3A_53, %mul3A_59 : vector<16xi32>
      %get3A_61 = arith.index_cast %add3A_48 : i32 to index
      %get3A_62 = tpu.vector_load %arg9[%get3A_61] {strides = array<i32>} : memref<10000xi32, #tpu.memory_space<vmem>>, vector<16xi32>,
      %get3A_63 = vector.shape_cast %get3A_62 : vector<16xi32> to vector<16xi32>
      %add3A_64 = arith.addi %add3A_60, %get3A_63 : vector<16xi32>
      %swap3A = arith.index_cast %add3A_48 : i32 to index
      %swap3A_65 = tpu.vector_load %arg10[%swap3A] {strides = array<i32>} : memref<10000xi32, #tpu.memory_space<vmem>>, vector<16xi32>,
      %swap3A_66 = vector.shape_cast %swap3A_65 : vector<16xi32> to vector<16xi32>
      %swap3A_67 = vector.shape_cast %add3A_64 : vector<16xi32> to vector<16xi32>
      tpu.vector_store %arg10[%swap3A], %swap3A_67 {strides = array<i32>} : memref<10000xi32, #tpu.memory_space<vmem>>, vector<16xi32>,
    }
    %scan3A_15 = arith.constant 5 : i32
    %barrier3A = arith.constant 0 : index
    tpu.barrier barrier_id(%barrier3A)
    %scan3A_16 = arith.constant 0 : i32
    %scan3A_17 = arith.constant 0 : i32
    %scan3A_18 = arith.constant 31 : i32
    %scan3A_19 = arith.addi %scan3A_17, %scan3A_18 : i32
    %scan3A_20 = arith.constant 1 : i32
    scf.for %scan3A_44 = %scan3A_17 to %scan3A_19 step %scan3A_20  : i32 {
      %mul3A_45 = arith.constant 4 : i32
      %mul3A_46 = arith.muli %scan3A_44, %mul3A_45 : i32
      %add3A_47 = arith.constant 0 : i32
      %add3A_48 = arith.addi %mul3A_46, %add3A_47 : i32
      %mul3A_49 = arith.constant 80 : i32
      %mul3A_50 = arith.muli %add3A_48, %mul3A_49 : i32
      %dma_start3A_51 = arith.constant 0 : i32
      %dma_start3A_52 = arith.constant 0 : i32
      %dma_start3A_53 = tpu.memref_slice %arg11[%dma_start3A_51, %dma_start3A_52] : memref<160x128xf32, #tpu.memory_space<vmem>> -> memref<80x128xf32, #tpu.memory_space<vmem>>
      %dma_start3A_54 = tpu.memref_slice %arg10[%mul3A_50] : memref<10000xi32, #tpu.memory_space<vmem>> -> memref<80xi32, #tpu.memory_space<vmem>>
      %dma_start3A_55 = arith.constant 0 : i32
      %dma_start3A_56 = arith.constant 0 : i32
      %dma_start3A_57 = tpu.memref_slice %arg13[%dma_start3A_55, %dma_start3A_56] : memref<64x128xf32, #tpu.memory_space<vmem_shared>> -> memref<64x128xf32, #tpu.memory_space<vmem_shared>>
      tpu.enqueue_indirect_dma source(%dma_start3A_57 : memref<64x128xf32, #tpu.memory_space<vmem_shared>>) target(%dma_start3A_53 : memref<80x128xf32, #tpu.memory_space<vmem>>) offsets(%dma_start3A_54 : memref<80xi32, #tpu.memory_space<vmem>>) semaphore(%arg14 : memref<!tpu.dma_semaphore, #tpu.memory_space<semaphore_mem>>)
      %add3A_58 = arith.constant 1 : i32
      %add3A_59 = arith.addi %mul3A_46, %add3A_58 : i32
      %mul3A_60 = arith.constant 80 : i32
      %mul3A_61 = arith.muli %add3A_59, %mul3A_60 : i32
      %dma_start3A_62 = arith.constant 80 : i32
      %dma_start3A_63 = arith.constant 0 : i32
      %dma_start3A_64 = tpu.memref_slice %arg11[%dma_start3A_62, %dma_start3A_63] : memref<160x128xf32, #tpu.memory_space<vmem>> -> memref<80x128xf32, #tpu.memory_space<vmem>>
      %dma_start3A_65 = tpu.memref_slice %arg10[%mul3A_61] : memref<10000xi32, #tpu.memory_space<vmem>> -> memref<80xi32, #tpu.memory_space<vmem>>
      %dma_start3A_66 = arith.constant 0 : i32
      %dma_start3A_67 = arith.constant 0 : i32
      %dma_start3A_68 = tpu.memref_slice %arg13[%dma_start3A_66, %dma_start3A_67] : memref<64x128xf32, #tpu.memory_space<vmem_shared>> -> memref<64x128xf32, #tpu.memory_space<vmem_shared>>
      tpu.enqueue_indirect_dma source(%dma_start3A_68 : memref<64x128xf32, #tpu.memory_space<vmem_shared>>) target(%dma_start3A_64 : memref<80x128xf32, #tpu.memory_space<vmem>>) offsets(%dma_start3A_65 : memref<80xi32, #tpu.memory_space<vmem>>) semaphore(%arg14 : memref<!tpu.dma_semaphore, #tpu.memory_space<semaphore_mem>>)
      %add3A_69 = arith.constant 1 : i32
      %add3A_70 = arith.addi %scan3A_44, %add3A_69 : i32
      %lt3A = arith.constant 31 : i32
      %lt3A_71 = arith.cmpi slt, %add3A_70, %lt3A : i32
      %convert_element_type3A_72 = arith.extui %lt3A_71 : i1 to i32
      %cond3A_73 = arith.constant 0 : i32
      %cond3A_74 = arith.cmpi ne, %convert_element_type3A_72, %cond3A_73 : i32
      scf.if %cond3A_74 {
        %add3A_172 = arith.constant 1 : i32
        %add3A_173 = arith.addi %scan3A_44, %add3A_172 : i32
        %scan3A_174 = arith.constant 0 : i32
        %scan3A_175 = arith.constant 0 : i32
        %scan3A_176 = arith.constant 20 : i32
        %scan3A_177 = arith.addi %scan3A_175, %scan3A_176 : i32
        %scan3A_178 = arith.constant 1 : i32
        scf.for %scan3A_180 = %scan3A_175 to %scan3A_177 step %scan3A_178  : i32 {
          %mul3A_181 = arith.constant 320 : i32
          %mul3A_182 = arith.muli %add3A_173, %mul3A_181 : i32
          %mul3A_183 = arith.constant 16 : i32
          %mul3A_184 = arith.muli %scan3A_180, %mul3A_183 : i32
          %add3A_185 = arith.addi %mul3A_182, %mul3A_184 : i32
          %get3A = arith.index_cast %add3A_185 : i32 to index
          %get3A_186 = tpu.vector_load %arg7[%get3A] {strides = array<i32>} : memref<10000xi32, #tpu.memory_space<vmem>>, vector<16xi32>,
          %get3A_187 = vector.shape_cast %get3A_186 : vector<16xi32> to vector<16xi32>
          %mul3A_188 = arith.constant 12 : i32
          %mul3A_189 = vector.broadcast %mul3A_188 : i32 to vector<16xi32>
          %mul3A_190 = arith.muli %get3A_187, %mul3A_189 : vector<16xi32>
          %get3A_191 = arith.index_cast %add3A_185 : i32 to index
          %get3A_192 = tpu.vector_load %arg8[%get3A_191] {strides = array<i32>} : memref<10000xi32, #tpu.memory_space<vmem>>, vector<16xi32>,
          %get3A_193 = vector.shape_cast %get3A_192 : vector<16xi32> to vector<16xi32>
          %mul3A_194 = arith.constant 2 : i32
          %mul3A_195 = vector.broadcast %mul3A_194 : i32 to vector<16xi32>
          %mul3A_196 = arith.muli %get3A_193, %mul3A_195 : vector<16xi32>
          %add3A_197 = arith.addi %mul3A_190, %mul3A_196 : vector<16xi32>
          %get3A_198 = arith.index_cast %add3A_185 : i32 to index
          %get3A_199 = tpu.vector_load %arg9[%get3A_198] {strides = array<i32>} : memref<10000xi32, #tpu.memory_space<vmem>>, vector<16xi32>,
          %get3A_200 = vector.shape_cast %get3A_199 : vector<16xi32> to vector<16xi32>
          %add3A_201 = arith.addi %add3A_197, %get3A_200 : vector<16xi32>
          %swap3A = arith.index_cast %add3A_185 : i32 to index
          %swap3A_202 = tpu.vector_load %arg10[%swap3A] {strides = array<i32>} : memref<10000xi32, #tpu.memory_space<vmem>>, vector<16xi32>,
          %swap3A_203 = vector.shape_cast %swap3A_202 : vector<16xi32> to vector<16xi32>
          %swap3A_204 = vector.shape_cast %add3A_201 : vector<16xi32> to vector<16xi32>
          tpu.vector_store %arg10[%swap3A], %swap3A_204 {strides = array<i32>} : memref<10000xi32, #tpu.memory_space<vmem>>, vector<16xi32>,
        }
        %scan3A_179 = arith.constant 20 : i32
      } else {
      }
      %gt3A = arith.constant 0 : i32
      %gt3A_75 = arith.cmpi sgt, %scan3A_44, %gt3A : i32
      %convert_element_type3A_76 = arith.extui %gt3A_75 : i1 to i32
      %cond3A_77 = arith.constant 0 : i32
      %cond3A_78 = arith.cmpi ne, %convert_element_type3A_76, %cond3A_77 : i32
      scf.if %cond3A_78 {
        %sub3A = arith.constant 2 : i32
        %sub3A_172 = arith.subi %mul3A_46, %sub3A : i32
        %mul3A_173 = arith.constant 80 : i32
        %mul3A_174 = arith.muli %sub3A_172, %mul3A_173 : i32
        %add3A_175 = arith.addi %mul3A_2, %mul3A_174 : i32
        %dma_wait3A_176 = arith.constant 0 : i32
        %dma_wait3A_177 = tpu.memref_slice %arg6[%add3A_175, %dma_wait3A_176] : memref<320000x128xf32, #tpu.memory_space<hbm>> -> memref<160x128xf32, #tpu.memory_space<hbm>>
        %dma_wait3A_178 = arith.constant 0 : i32
        %dma_wait3A_179 = tpu.memref_slice %arg6[%add3A_175, %dma_wait3A_178] : memref<320000x128xf32, #tpu.memory_space<hbm>> -> memref<160x128xf32, #tpu.memory_space<hbm>>
        tpu.wait_dma2 semaphore(%arg15 : memref<!tpu.dma_semaphore, #tpu.memory_space<semaphore_mem>>) src(%arg12 : memref<160x128xf32, #tpu.memory_space<vmem>>) dst(%dma_wait3A_179 : memref<160x128xf32, #tpu.memory_space<hbm>>)
      } else {
      }
      %add3A_79 = arith.constant 0 : i32
      %add3A_80 = arith.addi %mul3A_46, %add3A_79 : i32
      %mul3A_81 = arith.constant 80 : i32
      %mul3A_82 = arith.muli %add3A_80, %mul3A_81 : i32
      %dma_wait3A_83 = arith.constant 0 : i32
      %dma_wait3A_84 = arith.constant 0 : i32
      %dma_wait3A_85 = tpu.memref_slice %arg11[%dma_wait3A_83, %dma_wait3A_84] : memref<160x128xf32, #tpu.memory_space<vmem>> -> memref<80x128xf32, #tpu.memory_space<vmem>>
      %dma_wait3A_86 = tpu.memref_slice %arg10[%mul3A_82] : memref<10000xi32, #tpu.memory_space<vmem>> -> memref<80xi32, #tpu.memory_space<vmem>>
      %dma_wait3A_87 = arith.constant 0 : i32
      %dma_wait3A_88 = arith.constant 0 : i32
      %dma_wait3A_89 = tpu.memref_slice %arg13[%dma_wait3A_87, %dma_wait3A_88] : memref<64x128xf32, #tpu.memory_space<vmem_shared>> -> memref<64x128xf32, #tpu.memory_space<vmem_shared>>
      tpu.wait_indirect_dma semaphore(%arg14 : memref<!tpu.dma_semaphore, #tpu.memory_space<semaphore_mem>>) src(%dma_wait3A_89 : memref<64x128xf32, #tpu.memory_space<vmem_shared>>) dst(%dma_wait3A_85 : memref<80x128xf32, #tpu.memory_space<vmem>>)
      %add3A_90 = arith.constant 1 : i32
      %add3A_91 = arith.addi %mul3A_46, %add3A_90 : i32
      %mul3A_92 = arith.constant 80 : i32
      %mul3A_93 = arith.muli %add3A_91, %mul3A_92 : i32
      %dma_wait3A_94 = arith.constant 80 : i32
      %dma_wait3A_95 = arith.constant 0 : i32
      %dma_wait3A_96 = tpu.memref_slice %arg11[%dma_wait3A_94, %dma_wait3A_95] : memref<160x128xf32, #tpu.memory_space<vmem>> -> memref<80x128xf32, #tpu.memory_space<vmem>>
      %dma_wait3A_97 = tpu.memref_slice %arg10[%mul3A_93] : memref<10000xi32, #tpu.memory_space<vmem>> -> memref<80xi32, #tpu.memory_space<vmem>>
      %dma_wait3A_98 = arith.constant 0 : i32
      %dma_wait3A_99 = arith.constant 0 : i32
      %dma_wait3A_100 = tpu.memref_slice %arg13[%dma_wait3A_98, %dma_wait3A_99] : memref<64x128xf32, #tpu.memory_space<vmem_shared>> -> memref<64x128xf32, #tpu.memory_space<vmem_shared>>
      tpu.wait_indirect_dma semaphore(%arg14 : memref<!tpu.dma_semaphore, #tpu.memory_space<semaphore_mem>>) src(%dma_wait3A_100 : memref<64x128xf32, #tpu.memory_space<vmem_shared>>) dst(%dma_wait3A_96 : memref<80x128xf32, #tpu.memory_space<vmem>>)
      %add3A_101 = arith.constant 0 : i32
      %add3A_102 = arith.addi %mul3A_46, %add3A_101 : i32
      %mul3A_103 = arith.constant 80 : i32
      %mul3A_104 = arith.muli %add3A_102, %mul3A_103 : i32
      %add3A_105 = arith.addi %mul3A_2, %mul3A_104 : i32
      %dma_start3A_106 = arith.constant 0 : i32
      %dma_start3A_107 = tpu.memref_slice %arg6[%add3A_105, %dma_start3A_106] : memref<320000x128xf32, #tpu.memory_space<hbm>> -> memref<160x128xf32, #tpu.memory_space<hbm>>
      %dma_start3A_108 = arith.constant 0 : i32
      %dma_start3A_109 = tpu.memref_slice %arg6[%add3A_105, %dma_start3A_108] : memref<320000x128xf32, #tpu.memory_space<hbm>> -> memref<160x128xf32, #tpu.memory_space<hbm>>
      tpu.enqueue_dma source(%arg11 : memref<160x128xf32, #tpu.memory_space<vmem>>) target(%dma_start3A_109 : memref<160x128xf32, #tpu.memory_space<hbm>>) target_semaphore(%arg15 : memref<!tpu.dma_semaphore, #tpu.memory_space<semaphore_mem>>)
      %add3A_110 = arith.constant 2 : i32
      %add3A_111 = arith.addi %mul3A_46, %add3A_110 : i32
      %mul3A_112 = arith.constant 80 : i32
      %mul3A_113 = arith.muli %add3A_111, %mul3A_112 : i32
      %dma_start3A_114 = arith.constant 0 : i32
      %dma_start3A_115 = arith.constant 0 : i32
      %dma_start3A_116 = tpu.memref_slice %arg12[%dma_start3A_114, %dma_start3A_115] : memref<160x128xf32, #tpu.memory_space<vmem>> -> memref<80x128xf32, #tpu.memory_space<vmem>>
      %dma_start3A_117 = tpu.memref_slice %arg10[%mul3A_113] : memref<10000xi32, #tpu.memory_space<vmem>> -> memref<80xi32, #tpu.memory_space<vmem>>
      %dma_start3A_118 = arith.constant 0 : i32
      %dma_start3A_119 = arith.constant 0 : i32
      %dma_start3A_120 = tpu.memref_slice %arg13[%dma_start3A_118, %dma_start3A_119] : memref<64x128xf32, #tpu.memory_space<vmem_shared>> -> memref<64x128xf32, #tpu.memory_space<vmem_shared>>
      tpu.enqueue_indirect_dma source(%dma_start3A_120 : memref<64x128xf32, #tpu.memory_space<vmem_shared>>) target(%dma_start3A_116 : memref<80x128xf32, #tpu.memory_space<vmem>>) offsets(%dma_start3A_117 : memref<80xi32, #tpu.memory_space<vmem>>) semaphore(%arg14 : memref<!tpu.dma_semaphore, #tpu.memory_space<semaphore_mem>>)
      %add3A_121 = arith.constant 3 : i32
      %add3A_122 = arith.addi %mul3A_46, %add3A_121 : i32
      %mul3A_123 = arith.constant 80 : i32
      %mul3A_124 = arith.muli %add3A_122, %mul3A_123 : i32
      %dma_start3A_125 = arith.constant 80 : i32
      %dma_start3A_126 = arith.constant 0 : i32
      %dma_start3A_127 = tpu.memref_slice %arg12[%dma_start3A_125, %dma_start3A_126] : memref<160x128xf32, #tpu.memory_space<vmem>> -> memref<80x128xf32, #tpu.memory_space<vmem>>
      %dma_start3A_128 = tpu.memref_slice %arg10[%mul3A_124] : memref<10000xi32, #tpu.memory_space<vmem>> -> memref<80xi32, #tpu.memory_space<vmem>>
      %dma_start3A_129 = arith.constant 0 : i32
      %dma_start3A_130 = arith.constant 0 : i32
      %dma_start3A_131 = tpu.memref_slice %arg13[%dma_start3A_129, %dma_start3A_130] : memref<64x128xf32, #tpu.memory_space<vmem_shared>> -> memref<64x128xf32, #tpu.memory_space<vmem_shared>>
      tpu.enqueue_indirect_dma source(%dma_start3A_131 : memref<64x128xf32, #tpu.memory_space<vmem_shared>>) target(%dma_start3A_127 : memref<80x128xf32, #tpu.memory_space<vmem>>) offsets(%dma_start3A_128 : memref<80xi32, #tpu.memory_space<vmem>>) semaphore(%arg14 : memref<!tpu.dma_semaphore, #tpu.memory_space<semaphore_mem>>)
      %add3A_132 = arith.constant 0 : i32
      %add3A_133 = arith.addi %mul3A_46, %add3A_132 : i32
      %mul3A_134 = arith.constant 80 : i32
      %mul3A_135 = arith.muli %add3A_133, %mul3A_134 : i32
      %add3A_136 = arith.addi %mul3A_2, %mul3A_135 : i32
      %dma_wait3A_137 = arith.constant 0 : i32
      %dma_wait3A_138 = tpu.memref_slice %arg6[%add3A_136, %dma_wait3A_137] : memref<320000x128xf32, #tpu.memory_space<hbm>> -> memref<160x128xf32, #tpu.memory_space<hbm>>
      %dma_wait3A_139 = arith.constant 0 : i32
      %dma_wait3A_140 = tpu.memref_slice %arg6[%add3A_136, %dma_wait3A_139] : memref<320000x128xf32, #tpu.memory_space<hbm>> -> memref<160x128xf32, #tpu.memory_space<hbm>>
      tpu.wait_dma2 semaphore(%arg15 : memref<!tpu.dma_semaphore, #tpu.memory_space<semaphore_mem>>) src(%arg11 : memref<160x128xf32, #tpu.memory_space<vmem>>) dst(%dma_wait3A_140 : memref<160x128xf32, #tpu.memory_space<hbm>>)
      %add3A_141 = arith.constant 2 : i32
      %add3A_142 = arith.addi %mul3A_46, %add3A_141 : i32
      %mul3A_143 = arith.constant 80 : i32
      %mul3A_144 = arith.muli %add3A_142, %mul3A_143 : i32
      %dma_wait3A_145 = arith.constant 0 : i32
      %dma_wait3A_146 = arith.constant 0 : i32
      %dma_wait3A_147 = tpu.memref_slice %arg12[%dma_wait3A_145, %dma_wait3A_146] : memref<160x128xf32, #tpu.memory_space<vmem>> -> memref<80x128xf32, #tpu.memory_space<vmem>>
      %dma_wait3A_148 = tpu.memref_slice %arg10[%mul3A_144] : memref<10000xi32, #tpu.memory_space<vmem>> -> memref<80xi32, #tpu.memory_space<vmem>>
      %dma_wait3A_149 = arith.constant 0 : i32
      %dma_wait3A_150 = arith.constant 0 : i32
      %dma_wait3A_151 = tpu.memref_slice %arg13[%dma_wait3A_149, %dma_wait3A_150] : memref<64x128xf32, #tpu.memory_space<vmem_shared>> -> memref<64x128xf32, #tpu.memory_space<vmem_shared>>
      tpu.wait_indirect_dma semaphore(%arg14 : memref<!tpu.dma_semaphore, #tpu.memory_space<semaphore_mem>>) src(%dma_wait3A_151 : memref<64x128xf32, #tpu.memory_space<vmem_shared>>) dst(%dma_wait3A_147 : memref<80x128xf32, #tpu.memory_space<vmem>>)
      %add3A_152 = arith.constant 3 : i32
      %add3A_153 = arith.addi %mul3A_46, %add3A_152 : i32
      %mul3A_154 = arith.constant 80 : i32
      %mul3A_155 = arith.muli %add3A_153, %mul3A_154 : i32
      %dma_wait3A_156 = arith.constant 80 : i32
      %dma_wait3A_157 = arith.constant 0 : i32
      %dma_wait3A_158 = tpu.memref_slice %arg12[%dma_wait3A_156, %dma_wait3A_157] : memref<160x128xf32, #tpu.memory_space<vmem>> -> memref<80x128xf32, #tpu.memory_space<vmem>>
      %dma_wait3A_159 = tpu.memref_slice %arg10[%mul3A_155] : memref<10000xi32, #tpu.memory_space<vmem>> -> memref<80xi32, #tpu.memory_space<vmem>>
      %dma_wait3A_160 = arith.constant 0 : i32
      %dma_wait3A_161 = arith.constant 0 : i32
      %dma_wait3A_162 = tpu.memref_slice %arg13[%dma_wait3A_160, %dma_wait3A_161] : memref<64x128xf32, #tpu.memory_space<vmem_shared>> -> memref<64x128xf32, #tpu.memory_space<vmem_shared>>
      tpu.wait_indirect_dma semaphore(%arg14 : memref<!tpu.dma_semaphore, #tpu.memory_space<semaphore_mem>>) src(%dma_wait3A_162 : memref<64x128xf32, #tpu.memory_space<vmem_shared>>) dst(%dma_wait3A_158 : memref<80x128xf32, #tpu.memory_space<vmem>>)
      %add3A_163 = arith.constant 2 : i32
      %add3A_164 = arith.addi %mul3A_46, %add3A_163 : i32
      %mul3A_165 = arith.constant 80 : i32
      %mul3A_166 = arith.muli %add3A_164, %mul3A_165 : i32
      %add3A_167 = arith.addi %mul3A_2, %mul3A_166 : i32
      %dma_start3A_168 = arith.constant 0 : i32
      %dma_start3A_169 = tpu.memref_slice %arg6[%add3A_167, %dma_start3A_168] : memref<320000x128xf32, #tpu.memory_space<hbm>> -> memref<160x128xf32, #tpu.memory_space<hbm>>
      %dma_start3A_170 = arith.constant 0 : i32
      %dma_start3A_171 = tpu.memref_slice %arg6[%add3A_167, %dma_start3A_170] : memref<320000x128xf32, #tpu.memory_space<hbm>> -> memref<160x128xf32, #tpu.memory_space<hbm>>
      tpu.enqueue_dma source(%arg12 : memref<160x128xf32, #tpu.memory_space<vmem>>) target(%dma_start3A_171 : memref<160x128xf32, #tpu.memory_space<hbm>>) target_semaphore(%arg15 : memref<!tpu.dma_semaphore, #tpu.memory_space<semaphore_mem>>)
    }
    %scan3A_21 = arith.constant 31 : i32
    %add3A_22 = arith.constant 9760 : i32
    %add3A_23 = arith.addi %mul3A_2, %add3A_22 : i32
    %dma_wait3A = arith.constant 0 : i32
    %dma_wait3A_24 = tpu.memref_slice %arg6[%add3A_23, %dma_wait3A] : memref<320000x128xf32, #tpu.memory_space<hbm>> -> memref<160x128xf32, #tpu.memory_space<hbm>>
    %dma_wait3A_25 = arith.constant 0 : i32
    %dma_wait3A_26 = tpu.memref_slice %arg6[%add3A_23, %dma_wait3A_25] : memref<320000x128xf32, #tpu.memory_space<hbm>> -> memref<160x128xf32, #tpu.memory_space<hbm>>
    tpu.wait_dma2 semaphore(%arg15 : memref<!tpu.dma_semaphore, #tpu.memory_space<semaphore_mem>>) src(%arg12 : memref<160x128xf32, #tpu.memory_space<vmem>>) dst(%dma_wait3A_26 : memref<160x128xf32, #tpu.memory_space<hbm>>)
    %dma_start3A = arith.constant 0 : i32
    %dma_start3A_27 = arith.constant 0 : i32
    %dma_start3A_28 = tpu.memref_slice %arg11[%dma_start3A, %dma_start3A_27] : memref<160x128xf32, #tpu.memory_space<vmem>> -> memref<80x128xf32, #tpu.memory_space<vmem>>
    %dma_start3A_29 = arith.constant 9920 : i32
    %dma_start3A_30 = tpu.memref_slice %arg10[%dma_start3A_29] : memref<10000xi32, #tpu.memory_space<vmem>> -> memref<80xi32, #tpu.memory_space<vmem>>
    %dma_start3A_31 = arith.constant 0 : i32
    %dma_start3A_32 = arith.constant 0 : i32
    %dma_start3A_33 = tpu.memref_slice %arg13[%dma_start3A_31, %dma_start3A_32] : memref<64x128xf32, #tpu.memory_space<vmem_shared>> -> memref<64x128xf32, #tpu.memory_space<vmem_shared>>
    tpu.enqueue_indirect_dma source(%dma_start3A_33 : memref<64x128xf32, #tpu.memory_space<vmem_shared>>) target(%dma_start3A_28 : memref<80x128xf32, #tpu.memory_space<vmem>>) offsets(%dma_start3A_30 : memref<80xi32, #tpu.memory_space<vmem>>) semaphore(%arg14 : memref<!tpu.dma_semaphore, #tpu.memory_space<semaphore_mem>>)
    %dma_wait3A_34 = arith.constant 0 : i32
    %dma_wait3A_35 = arith.constant 0 : i32
    %dma_wait3A_36 = tpu.memref_slice %arg11[%dma_wait3A_34, %dma_wait3A_35] : memref<160x128xf32, #tpu.memory_space<vmem>> -> memref<80x128xf32, #tpu.memory_space<vmem>>
    %dma_wait3A_37 = arith.constant 9920 : i32
    %dma_wait3A_38 = tpu.memref_slice %arg10[%dma_wait3A_37] : memref<10000xi32, #tpu.memory_space<vmem>> -> memref<80xi32, #tpu.memory_space<vmem>>
    %dma_wait3A_39 = arith.constant 0 : i32
    %dma_wait3A_40 = arith.constant 0 : i32
    %dma_wait3A_41 = tpu.memref_slice %arg13[%dma_wait3A_39, %dma_wait3A_40] : memref<64x128xf32, #tpu.memory_space<vmem_shared>> -> memref<64x128xf32, #tpu.memory_space<vmem_shared>>
    tpu.wait_indirect_dma semaphore(%arg14 : memref<!tpu.dma_semaphore, #tpu.memory_space<semaphore_mem>>) src(%dma_wait3A_41 : memref<64x128xf32, #tpu.memory_space<vmem_shared>>) dst(%dma_wait3A_36 : memref<80x128xf32, #tpu.memory_space<vmem>>)
    %add3A_42 = arith.constant 9920 : i32
    %add3A_43 = arith.addi %mul3A_2, %add3A_42 : i32
    "tpu.region"() ({
      %run_scoped3A = tpu.sem_alloc : memref<!tpu.dma_semaphore, #tpu.memory_space<semaphore_mem>>
      %dma_start3A_44 = arith.constant 0 : i32
      %dma_start3A_45 = arith.constant 0 : i32
      %dma_start3A_46 = tpu.memref_slice %arg11[%dma_start3A_44, %dma_start3A_45] : memref<160x128xf32, #tpu.memory_space<vmem>> -> memref<80x128xf32, #tpu.memory_space<vmem>>
      %dma_start3A_47 = arith.constant 0 : i32
      %dma_start3A_48 = tpu.memref_slice %arg6[%add3A_43, %dma_start3A_47] : memref<320000x128xf32, #tpu.memory_space<hbm>> -> memref<80x128xf32, #tpu.memory_space<hbm>>
      %dma_start3A_49 = arith.constant 0 : i32
      %dma_start3A_50 = tpu.memref_slice %arg6[%add3A_43, %dma_start3A_49] : memref<320000x128xf32, #tpu.memory_space<hbm>> -> memref<80x128xf32, #tpu.memory_space<hbm>>
      %dma_start3A_51 = arith.constant 0 : i32
      %dma_start3A_52 = arith.constant 0 : i32
      %dma_start3A_53 = tpu.memref_slice %arg11[%dma_start3A_51, %dma_start3A_52] : memref<160x128xf32, #tpu.memory_space<vmem>> -> memref<80x128xf32, #tpu.memory_space<vmem>>
      tpu.enqueue_dma source(%dma_start3A_53 : memref<80x128xf32, #tpu.memory_space<vmem>>) target(%dma_start3A_50 : memref<80x128xf32, #tpu.memory_space<hbm>>) target_semaphore(%run_scoped3A : memref<!tpu.dma_semaphore, #tpu.memory_space<semaphore_mem>>)
      %dma_wait3A_54 = arith.constant 0 : i32
      %dma_wait3A_55 = arith.constant 0 : i32
      %dma_wait3A_56 = tpu.memref_slice %arg11[%dma_wait3A_54, %dma_wait3A_55] : memref<160x128xf32, #tpu.memory_space<vmem>> -> memref<80x128xf32, #tpu.memory_space<vmem>>
      %dma_wait3A_57 = arith.constant 0 : i32
      %dma_wait3A_58 = tpu.memref_slice %arg6[%add3A_43, %dma_wait3A_57] : memref<320000x128xf32, #tpu.memory_space<hbm>> -> memref<80x128xf32, #tpu.memory_space<hbm>>
      %dma_wait3A_59 = arith.constant 0 : i32
      %dma_wait3A_60 = tpu.memref_slice %arg6[%add3A_43, %dma_wait3A_59] : memref<320000x128xf32, #tpu.memory_space<hbm>> -> memref<80x128xf32, #tpu.memory_space<hbm>>
      %dma_wait3A_61 = arith.constant 0 : i32
      %dma_wait3A_62 = arith.constant 0 : i32
      %dma_wait3A_63 = tpu.memref_slice %arg11[%dma_wait3A_61, %dma_wait3A_62] : memref<160x128xf32, #tpu.memory_space<vmem>> -> memref<80x128xf32, #tpu.memory_space<vmem>>
      tpu.wait_dma2 semaphore(%run_scoped3A : memref<!tpu.dma_semaphore, #tpu.memory_space<semaphore_mem>>) src(%dma_wait3A_63 : memref<80x128xf32, #tpu.memory_space<vmem>>) dst(%dma_wait3A_60 : memref<80x128xf32, #tpu.memory_space<hbm>>)
      tpu.yield
    }) : () -> ()
    return
  }
}

</mosaic_0001>

<sc_bundles>
// kernel: kernel.3.cloned.1.call-start
scs
__scs_entry_jumppad:
0x0: {  	(pc) =	sbr.rel $0x88, $3  }
0x1: {  	(tag) =	ssettag $0x0;
	lr =	simm.s32 $0x1  }
0x2: {  	[smem:$0x3F9D] =	sst lr;
	_ =	strace $0xD0000000  }
0x3: {  	_ = 	snop  }
0x4: {  	_ = 	snop  }
0x5: {  	_ = 	snop  }
0x6: {  	_ = 	snop  }
0x7: {  	_ = 	snop  }
__scs_overlays_trampoline_lowered:
0x8: {  	[smem:$0x3FAC] =	sst s0  }
0x9: {  	[smem:$0x3FAD] =	sst s1  }
0xa: {  	[smem:$0x3FAE] =	sst s2  }
0xb: {  	[smem:$0x3FAF] =	sst s3  }
0xc: {  	[smem:$0x3FB0] =	sst s4  }
0xd: {  	[smem:$0x3FB1] =	sst s5  }
0xe: {  	[smem:$0x3FB2] =	sst s6  }
0xf: {  	[smem:$0x3FB3] =	sst s7  }
0x10: {  	[smem:$0x3FB4] =	sst s8  }
0x11: {  	[smem:$0x3FB5] =	sst s9;
	s0 =	simm.s32 @!p0 $0x0  }
0x12: {  	s1 =	sld [smem:$0x3F9B];
	s0 =	simm.s32 @p0 $0x1  }
0x13: {  	[smem:$0x3FB6] =	sst s0;
	s0 =	simm.s32 @!p1 $0x0  }
0x14: {  	s2 =	sld [smem:$0x3F9A];
	s0 =	simm.s32 @p1 $0x1  }
0x15: {  	[smem:$0x3FB7] =	sst s0;
	s0 =	simm.s32 @!p2 $0x0  }
0x16: {  	s3 =	sld [smem:$0x3FDB];
	s0 =	simm.s32 @p2 $0x1  }
0x17: {  	s4 =	simm.s32 $0x1BF5;
	[smem:$0x3FB9] =	sst s0  }
0x18: {  	s0 =	sld [smem:$0x3F9C];
	_ =	swait.ge [sflag:s4], $0x0  }
0x19: {  	s7 =	sld [smem:$0x3F9D]  }
0x1a: {  	s8 =	sadd.s32 $0xFFFFE003, lr  }
0x1b: {  	s9 =	sadd.s32 $0xFFFFFEF7, lr;
	s5 =	simm.s32 $0xFFFFFFFF;
	p2 =	slt.u32 s8, $0xFFFFF086  }
0x1c: {  	p1 =	slt.u32 s9, $0xF7A;
	s5 =	simm.s32 @!p2 $0x0  }
0x1d: {  	s5 =	simm.s32 @p1 $0x1;
	p0 =	seq.s32 s7, s2  }
0x1e: {  	s7 =	smul.u32 @!p0 $0xF7A, s2;
	p2 =	seq.s32 @!p0 s5, $0x0  }
0x1f: {  	s9 =	smul.u32 $0xF7A, s1;
	s8 =	simm.s32 @!p0 $0x1BF5;
	p2 =	por !p2, p0  }
0x20: {  	[sflag:s8] =	ssyncset.s32 @!p0 $0xFFFFF086;
	s6 =	sadd.s32 @!p0 s3, s7;
	s7 =	simm.s32 @!p0 $0x108  }
0x21: {  	s3 =	sadd.s32 s3, s9;
	s6 =	sadd.s32 @!p0 $0x88, s6;
	s7 =	simm.s32 @p2 $0x1082  }
0x22: {  	[simem:s7], [sflag:s8] =	dma.local @!p0 [hbm:s6], $0xF7A  }
0x23: {  	s9 =	sor.u32 $0xD0000000, s2;
	s6 =	simm.s32 $0x108;
	_ =	swait.ge @!p0 [sflag:s8], $0x0  }
0x24: {  	s3 =	sadd.s32 $0x88, s3;
	s6 =	simm.s32 @!p1 $0x1082;
	[sflag:s4] =	ssyncset.s32 $0xFFFFF086  }
0x25: {  	[simem:s6], [sflag:s4] =	dma.local [hbm:s3], $0xF7A  }
0x26: {  	[smem:$0x3F9D] =	sst s1;
	(tag) =	ssettag s2;
	_ =	strace s9  }
0x27: {  	s1 =	sld [smem:$0x3FAD]  }
0x28: {  	s2 =	sld [smem:$0x3FAE]  }
0x29: {  	s4 =	sld [smem:$0x3FB0]  }
0x2a: {  	p0 =	seq.s32 s5, $0x0;
	s5 =	sld [smem:$0x3FB1]  }
0x2b: {  	s6 =	sld [smem:$0x3FB2]  }
0x2c: {  	s7 =	sld [smem:$0x3FB3]  }
0x2d: {  	s3 =	simm.s32 $0x108;
	s8 =	sld [smem:$0x3FB4]  }
0x2e: {  	s3 =	simm.s32 @!p0 $0x1082;
	s9 =	sld [smem:$0x3FB5]  }
0x2f: {  	lr =	sadd.s32 s0, s3;
	s0 =	sld [smem:$0x3FAC]  }
0x30: {  	s3 =	sld [smem:$0x3FAF]  }
0x31: {  	[smem:$0x3FB8] =	sst s10  }
0x32: {  	s10 =	sld [smem:$0x3FB6];
	_ =	sdelay $0x3  }
0x33: {  	p0 =	seq.s32 s10, $0x1;
	s10 =	sld [smem:$0x3FB8];
	_ =	sdelay $0x3  }
0x34: {  	[smem:$0x3FB8] =	sst s10  }
0x35: {  	s10 =	sld [smem:$0x3FB7];
	_ =	sdelay $0x3  }
0x36: {  	p1 =	seq.s32 s10, $0x1;
	s10 =	sld [smem:$0x3FB8];
	_ =	sdelay $0x3  }
0x37: {  	[smem:$0x3FB8] =	sst s10  }
0x38: {  	s10 =	sld [smem:$0x3FB9]  }
0x39: {  	_ = 	snop;
	(pc) =	sbr.ind lr, $3  }
0x3a: {  	_ = 	snop  }
0x3b: {  	_ = 	snop  }
0x3c: {  	p2 =	seq.s32 s10, $0x1;
	s10 =	sld [smem:$0x3FB8]  }
0x3d: {  	_ =	shalt  }
0x3e: {  	_ =	shalt  }
0x3f: {  	_ =	shalt  }
0x40: {  	_ =	shalt  }
0x41: {  	_ =	shalt  }
0x42: {  	_ =	shalt  }
0x43: {  	_ =	shalt  }
0x44: {  	_ =	shalt  }
0x45: {  	_ =	shalt  }
0x46: {  	_ =	shalt  }
0x47: {  	_ =	shalt  }
0x48: {  	_ =	shalt  }
0x49: {  	_ =	shalt  }
0x4a: {  	_ =	shalt  }
0x4b: {  	_ =	shalt  }
0x4c: {  	_ =	shalt  }
0x4d: {  	_ =	shalt  }
0x4e: {  	_ =	shalt  }
0x4f: {  	_ =	shalt  }
0x50: {  	_ =	shalt  }
0x51: {  	_ =	shalt  }
0x52: {  	_ =	shalt  }
0x53: {  	_ =	shalt  }
0x54: {  	_ =	shalt  }
0x55: {  	_ =	shalt  }
0x56: {  	_ =	shalt  }
0x57: {  	_ =	shalt  }
0x58: {  	_ =	shalt  }
0x59: {  	_ =	shalt  }
0x5a: {  	_ =	shalt  }
0x5b: {  	_ =	shalt  }
0x5c: {  	_ =	shalt  }
0x5d: {  	_ =	shalt  }
0x5e: {  	_ =	shalt  }
0x5f: {  	_ =	shalt  }
0x60: {  	_ =	shalt  }
0x61: {  	_ =	shalt  }
0x62: {  	_ =	shalt  }
0x63: {  	_ =	shalt  }
0x64: {  	_ =	shalt  }
0x65: {  	_ =	shalt  }
0x66: {  	_ =	shalt  }
0x67: {  	_ =	shalt  }
0x68: {  	_ =	shalt  }
0x69: {  	_ =	shalt  }
0x6a: {  	_ =	shalt  }
0x6b: {  	_ =	shalt  }
0x6c: {  	_ =	shalt  }
0x6d: {  	_ =	shalt  }
0x6e: {  	_ =	shalt  }
0x6f: {  	_ =	shalt  }
0x70: {  	_ =	shalt  }
0x71: {  	_ =	shalt  }
0x72: {  	_ =	shalt  }
0x73: {  	_ =	shalt  }
0x74: {  	_ =	shalt  }
0x75: {  	_ =	shalt  }
0x76: {  	_ =	shalt  }
0x77: {  	_ =	shalt  }
0x78: {  	_ =	shalt  }
0x79: {  	_ =	shalt  }
0x7a: {  	_ =	shalt  }
0x7b: {  	_ =	shalt  }
0x7c: {  	_ =	shalt  }
0x7d: {  	_ =	shalt  }
0x7e: {  	_ =	shalt  }
0x7f: {  	_ =	shalt  }
0x80: {  	_ =	shalt  }
0x81: {  	_ =	shalt  }
0x82: {  	_ =	shalt  }
0x83: {  	_ =	shalt  }
0x84: {  	_ =	shalt  }
0x85: {  	_ =	shalt  }
0x86: {  	_ =	shalt  }
0x87: {  	_ =	shalt  }
.Lfunc_end0:
.L_simem_size_0:
called_computation_lowered:
.L_overlay_start_0:
0x88: {  	s2 =	sld [smem:$0x3FD9]  }
0x89: {  	s3 =	sld [smem:$0x3FFE];
	_ =	sdelay $0x1  }
0x8a: {  	s1 =	srdreg.scid  }
0x8b: {  	s0 =	sand.u32 $0x1, s1  }
0x8c: {  	s17 =	sshll.u32 s0, $0xA;
	s2 =	sadd.s32 s3, s2  }
0x8d: {  	s2 =	sadd.s32 s2, s17  }
0x8e: {  	[smem:$0x3FC4] =	sst s2  }
0x8f: {  	_ = 	snop  }
0x90: {  	s2 =	sld [smem:$0x3FD0];
	(tm) =	ssettm $0x1  }
0x91: {  	s18 =	sld [smem:$0x3FFB];
	_ =	sdelay $0x3  }
0x92: {  	_ =	strace s18  }
0x93: {  	s3 =	sld [smem:$0x3FFC];
	_ =	sdelay $0x3  }
0x94: {  	_ =	strace s3  }
0x95: {  	s3 =	sld [smem:$0x3FFD];
	_ =	sdelay $0x3  }
0x96: {  	_ =	strace s3  }
0x97: {  	_ =	strace $0x8FFFFFFF  }
0x98: {  	s19 =	sld [smem:$0x3FDB];
	_ =	sdelay $0x1  }
0x99: {  	s4 =	simm.s32 $_scs_section_size  }
0x9a: {  	s5 =	simm.s32 $_size__tile_overlayer_lowered;
	s6 =	simm.s32 $_tile_overlayer_lowered  }
0x9b: {  	s22 =	simm.s32 $0x1BFF;
	s21 =	sshll.u32 s6, $0x1;
	s3 =	sadd.s32 s4, s19  }
0x9c: {  	s7 =	simm.s32 $0x0;
	s20 =	sshll.u32 s5, $0x1;
	s5 =	sadd.s32 s21, s3  }
0x9d: {  	[timem:s7], [sflag:s22] =	dma.local [hbm:s5], s20  }
0x9e: {  	_ =	swait.ge [sflag:s22], s20  }
0x9f: {  	s4 =	ssub.s32 $0x0, s20;
	[sflag:s22] =	ssyncset.done $0x0  }
0xa0: {  	[sflag:s22] =	ssyncadd.s32 s4;
	_ =	sdelay $0x1  }
0xa1: {  	s23 =	simm.s32 $0x1B8B  }
0xa2: {  	_ =	swait.ge [sflag:s23], $0x1  }
0xa3: {  	[sflag:s23] =	ssyncset.done $0x0  }
0xa4: {  	s25 =	simm.s32 $0x1B8E;
	s24 =	sld [smem:$0x3FFE];
	[sflag:s23] =	ssyncadd.s32 $0xFFFFFFFF  }
0xa5: {  	s26 =	simm.s32 $execute0_lowered;
	[smem:$0x3FD2] =	sst s25  }
0xa6: {  	s5 =	sshll.u32 s26, $0x1;
	_ =	strace $0x80000046;
	[dreg:$0x1] =	wrdreg $0xFFFFFFFF  }
0xa7: {  	s28 =	simm.s32 $_size_execute0_lowered;
	s3 =	sadd.s32 s3, s5;
	[dreg:$0x0] =	wrdreg $0x0  }
0xa8: {  	s5 =	sshll.u32 s28, $0x1;
	[dreg:$0x2] =	wrdreg s3  }
0xa9: {  	[dreg:$0x3] =	wrdreg s5  }
0xaa: {  	[dreg:$0x4] =	wrdreg $0xC0  }
0xab: {  	_ =	task [dreg:s7], $0x5FFFF  }
0xac: {  	[dreg:$0x1] =	wrdreg $0xFFFFFFFF  }
0xad: {  	[dreg:$0x0] =	wrdreg $0x60  }
0xae: {  	[dreg:$0x2] =	wrdreg s24  }
0xaf: {  	[dreg:$0x3] =	wrdreg s2  }
0xb0: {  	[dreg:$0x4] =	wrdreg $0x13E000  }
0xb1: {  	[dreg:$0x5] =	wrdreg $0x9  }
0xb2: {  	_ =	task.clear_ibuf [dreg:s7], $0x6FFFF;
	_ =	strace $0x90000046  }
0xb3: {  	s29 =	simm.s32 $0x9;
	_ =	strace $0x80000048  }
0xb4: {  	_ =	swait.ge [sflag:s29], $0x1  }
0xb5: {  	[sflag:s29] =	ssyncadd.s32 $0xFFFFFFFF  }
0xb6: {  	_ =	strace $0x90000048  }
0xb7: {  	_ =	sfence  }
0xb8: {  	s30 =	sld [smem:$0x0];
	_ =	sdelay $0x2  }
0xb9: {  	s31 =	sshll.u32 s1, $0xD;
	s1 =	sshrl.u32 s1, $0x2  }
0xba: {  	s3 =	sand.u32 $0x4000, s31;
	s1 =	sadd.s32 s1, s30  }
0xbb: {  	s0 =	sor.u32 s3, s0;
	s1 =	sshll.u32 s1, $0x11  }
0xbc: {  	s0 =	sor.u32 s1, s0  }
0xbd: {  	s0 =	sadd.s32 $0x8F2B, s0  }
0xbe: {  	[sflag:s0] =	ssyncadd.remote.s32 $0x1  }
0xbf: {  	_ =	sfence.sel $0xFFFF  }
0xc0: {  	[dreg:$0x0] =	wrdreg $0xFFFFFFFF;
	(pc) =	sbr.abs _section_cstart, $3  }
0xc1: {  	[dreg:$0x1] =	wrdreg $0xFFFFFFFF  }
0xc2: {  	_ =	task.clear_ibuf [dreg:s7], $0x2FFFF;
	_ =	strace $0x9FFFFFFF  }
0xc3: {  	(tm) =	ssettm $0x7FFFFFFF  }
tec
execute0_lowered:
.L_overlay_start_1:
0x0: {  	(tag) =	ssettag $0x1  }
0x1: {  	s1 =	rddreg [dreg:$0x0]  }
0x2: {  	s0 =	rddreg [dreg:$0x1];
	s3 =	srdreg.scid  }
0x3: {  	s9 =	stileid.u32;
	s2 =	rddreg [dreg:$0x2];
	s12 =	simm.s32 $0x3  }
0x4: {  	s15 =	simm.s32 $0x50;
	s16 =	simm.s32 $0x9E00;
	s17 =	simm.s32 $0xC600  }
0x5: {  	s18 =	simm.s32 $0x2;
	s19 =	simm.s32 $0x1;
	s20 =	simm.s32 $0xEE00  }
0x6: {  	s21 =	simm.s32 $0x11600;
	s5 =	sand.u32 $0x1, s3;
	s4 =	sshll.u32 s9, $0x1  }
0x7: {  	s23 =	simm.s32 $0x0;
	s24 =	simm.s32 $0x0;
	s6 =	sor.u32 s5, s4  }
0x8: {  	s3 =	simm.s32 $0x0;
	s30 =	sadd.s32 $0x1DA00, s1;
	s4 =	smul.u32 $0x2710, s6  }
0x9: {  	p0 =	sne.s32 s9, $0x0;
	[smem:$0x7FF] =	sst s3;
	s10 =	smul.u32 $0x138800, s6  }
.Ltmp0:
0xa: {  	s7 =	ssub.s32 $0x2, s5;
	_ =	strace $0x80000047;
	(pc) =	sbr.rel .LBB2_1-.Ltmp0, $4  }
0xb: {  	[dreg:$0x4] =	wrdreg s30;
	s11 =	sshrl.u32 s7, $0x1;
	s8 =	sshrl.u32 s4, $0x3  }
0xc: {  	s31 =	ssub.s32 s7, s11;
	s10 =	sshrl.u32 s10, $0x3;
	s6 =	sadd.s32 s1, s8  }
0xd: {  	s11 =	sshrl.u32 @!p0 s2, $0x3;
	s10 =	sadd.s32 s0, s10;
	s7 =	sadd.s32 $0x13C00, s6  }
0xe: {  	s8 =	sadd.s32 $0x9E00, s6;
	s9 =	sadd.s32 $0x26C00, s10;
	s10 =	smax.u32 s31, $0x1  }
.LBB2_10:
0xf: {  	_ =	swait.ge [sflag:s18], $0x5000  }
0x10: {  	[sflag:s18] =	ssyncset.done $0x0  }
0x11: {  	s1 =	simm.s32 $0x9D40;
	[sflag:s18] =	ssyncadd.s32 $0xFFFFB000  }
0x12: {  	[tilespmem:s16], [sflag:$0x1] =	stream.indirect.gather [spmem:s2], $0x80, s1, s15, $0xb8;
	[tilespmem:$0x14000] =	vst v63  }
0x13: {  	s23 =	sadd.s32 $0x1, s23;
	_ =	swait.ge [sflag:s19], $0x2800  }
0x14: {  	p1 =	sne.s32 s23, s10;
	[sflag:s19] =	ssyncset.done $0x0  }
.Ltmp1:
0x15: {  	[sflag:s19] =	ssyncadd.s32 $0xFFFFD800;
	(pc) =	sbr.rel @!p1 .LBB2_11-.Ltmp1, $4  }
0x16: {  	[hbm4b:s9+s3] =	stream.linear.scatter [tilespmem:s16], [sflag:$0x3], $0x2800, $0x38;
	[tilespmem:$0x14000] =	vst v63  }
0x17: {  	_ =	swait.ge [sflag:s12], $0x2800  }
0x18: {  	[sflag:s12] =	ssyncset.done $0x0  }
0x19: {  	[sflag:s12] =	ssyncadd.s32 $0xFFFFD800  }
.LBB2_1:
0x1a: {  	s1 =	simm.s32 @!p0 $0x1C03;
	s5 =	rddreg [dreg:$0x4]  }
0x1b: {  	[spmem:s11], [sflag:s1] =	dma.local @!p0 [hbm:s5], $0x400  }
0x1c: {  	s1 =	simm.s32 @!p0 $0x3  }
0x1d: {  	_ =	swait.ge @!p0 [sflag:s1], $0x400  }
0x1e: {  	[sflag:s1] =	ssyncset.done @!p0 $0x0  }
0x1f: {  	[sflag:s1] =	ssyncadd.s32 @!p0 $0xFFFFFC00  }
0x20: {  	[tilespmem:s3], [sflag:$0x3] =	stream.linear.gather [hbm4b:s7+s3], $0x2710, $0x38;
	[tilespmem:$0x14000] =	vst v63  }
0x21: {  	_ =	swait.ge [sflag:s12], $0x2710  }
0x22: {  	[sflag:s12] =	ssyncset.done $0x0  }
0x23: {  	s30 =	simm.s32 $0x2780;
	[sflag:s12] =	ssyncadd.s32 $0xFFFFD8F0  }
0x24: {  	[tilespmem:s30], [sflag:$0x3] =	stream.linear.gather [hbm4b:s8+s3], $0x2710, $0x38;
	[tilespmem:$0x14000] =	vst v63  }
0x25: {  	_ =	swait.ge [sflag:s12], $0x2710  }
0x26: {  	[sflag:s12] =	ssyncset.done $0x0  }
0x27: {  	s31 =	simm.s32 $0x4F00;
	[sflag:s12] =	ssyncadd.s32 $0xFFFFD8F0  }
0x28: {  	[tilespmem:s31], [sflag:$0x3] =	stream.linear.gather [hbm4b:s6+s3], $0x2710, $0x38;
	[tilespmem:$0x14000] =	vst v63  }
0x29: {  	_ =	swait.ge [sflag:s12], $0x2710  }
0x2a: {  	[sflag:s12] =	ssyncset.done $0x0  }
0x2b: {  	s1 =	simm.s32 $0x0;
	[sflag:s12] =	ssyncadd.s32 $0xFFFFD8F0  }
0x2c: {  	v0 =	vld [tilespmem:s1+$0x0]  }
0x2d: {  	v1 =	vld [tilespmem:s1+$0x2780];
	_ =	sdelay $0x1  }
0x2e: {  	s13 =	simm.s32 $0x40;
	v2 =	vld [tilespmem:s1+$0x4F00]  }
.LBB2_2:
0x2f: {  	p1 =	sne.s32 s13, $0x4C0  }
.Ltmp2:
0x30: {  	s14 =	sshra.s32 s13, $0x2;
	s13 =	sadd.s32 $0x40, s13;
	v3 =	vmul.u32 $0xC, v0;
	(pc) =	sbr.rel @p1 .LBB2_2-.Ltmp2, $4  }
0x31: {  	v0 =	vld [tilespmem:s14+$0x0];
	v4 =	vshll.u32 v1, $0x1  }
0x32: {  	v1 =	vld [tilespmem:s14+$0x2780];
	v3 =	vadd.s32 v3, v4  }
0x33: {  	v3 =	vadd.s32 v2, v3  }
0x34: {  	v2 =	vld [tilespmem:s14+$0x4F00];
	[tilespmem:s1+$0x7680] =	vst v3;
	s1 =	smov.u32 s14  }
0x35: {  	_ = 	snop  }
0x36: {  	v0 =	vmul.u32 $0xC, v0  }
0x37: {  	v1 =	vshll.u32 v1, $0x1  }
0x38: {  	v0 =	vadd.s32 v0, v1  }
0x39: {  	v0 =	vadd.s32 v2, v0  }
0x3a: {  	[tilespmem:s1+$0x7680] =	vst v0  }
0x3b: {  	v0 =	vld [tilespmem:$0x26C0]  }
0x3c: {  	v48 =	vld [tilespmem:$0x4E40]  }
0x3d: {  	v49 =	vld [tilespmem:$0x75C0]  }
0x3e: {  	v3 =	vld [tilespmem:$0x26D0]  }
0x3f: {  	v4 =	vld [tilespmem:$0x4E50]  }
0x40: {  	v5 =	vld [tilespmem:$0x75D0]  }
0x41: {  	v6 =	vld [tilespmem:$0x26E0]  }
0x42: {  	v7 =	vld [tilespmem:$0x4E60]  }
0x43: {  	v9 =	vld [tilespmem:$0x26F0]  }
0x44: {  	v10 =	vld [tilespmem:$0x4E70]  }
0x45: {  	v11 =	vld [tilespmem:$0x2700]  }
0x46: {  	v12 =	vld [tilespmem:$0x4E80]  }
0x47: {  	v51 =	vld [tilespmem:$0x75F0];
	v0 =	vmul.u32 $0xC, v0;
	v1 =	vshll.u32 v48, $0x1  }
0x48: {  	v53 =	vld [tilespmem:$0x7600];
	v3 =	vmul.u32 $0xC, v3;
	v50 =	vshll.u32 v4, $0x1;
	v52 =	vmul.u32 $0xC, v6  }
0x49: {  	v8 =	vld [tilespmem:$0x75E0];
	v55 =	vmul.u32 $0xC, v9;
	v57 =	vshll.u32 v10, $0x1;
	v0 =	vadd.s32 v0, v1  }
0x4a: {  	v58 =	vmul.u32 $0xC, v11;
	v1 =	vadd.s32 v3, v50;
	v0 =	vadd.s32 v49, v0  }
0x4b: {  	v60 =	vshll.u32 v12, $0x1;
	v59 =	vadd.s32 v55, v57;
	v1 =	vadd.s32 v5, v1;
	[tilespmem:$0x9D40] =	vst v0  }
0x4c: {  	v54 =	vshll.u32 v7, $0x1;
	v62 =	vadd.s32 v58, v60;
	v61 =	vadd.s32 v51, v59;
	[tilespmem:$0x9D50] =	vst v1  }
.Ltmp3:
0x4d: {  	v56 =	vadd.s32 v52, v54;
	v63 =	vadd.s32 v53, v62;
	[tilespmem:$0x9D70] =	vst v61;
	(pc) =	sbr.rel .LBB2_4-.Ltmp3, $4  }
0x4e: {  	v0 =	vadd.s32 v8, v56;
	[tilespmem:$0x9D80] =	vst v63  }
0x4f: {  	[tilespmem:$0x9D60] =	vst v0  }
0x50: {  	s25 =	simm.s32 $0x140;
	s26 =	simm.s32 $0x28C0;
	[bflag:$0x0] =	sbarrier.arrive $0xFFFF  }
0x51: {  	s28 =	simm.s32 $0x5040;
	s29 =	simm.s32 $0x77C0;
	s30 =	simm.s32 $0x0  }
.LBB2_8:
0x52: {  	_ =	swait.ge [sflag:s18], $0x5000  }
0x53: {  	[sflag:s18] =	ssyncset.done $0x0  }
0x54: {  	[sflag:s18] =	ssyncadd.s32 $0xFFFFB000  }
.LBB2_9:
0x55: {  	_ =	swait.ge [sflag:s19], $0x2800  }
0x56: {  	[sflag:s19] =	ssyncset.done $0x0  }
0x57: {  	[sflag:s19] =	ssyncadd.s32 $0xFFFFD800  }
0x58: {  	s5 =	sadd.s32 s4, s31;
	_ =	swait.ge [sflag:s19], $0x2800  }
0x59: {  	s5 =	sshll.u32 s5, $0x4;
	[sflag:s19] =	ssyncset.done $0x0  }
0x5a: {  	s5 =	sadd.s32 s0, s5;
	[sflag:s19] =	ssyncadd.s32 $0xFFFFD800  }
0x5b: {  	[hbm4b:s5+s3] =	stream.linear.scatter [tilespmem:s16], [sflag:$0x2], $0x5000, $0x38;
	[tilespmem:$0x14000] =	vst v63  }
0x5c: {  	s13 =	sadd.s32 $0x7720, s31  }
0x5d: {  	[tilespmem:s20], [sflag:$0x1] =	stream.indirect.gather [spmem:s2], $0x80, s13, s15, $0xb8;
	[tilespmem:$0x14000] =	vst v63  }
0x5e: {  	s1 =	sadd.s32 $0x7770, s1  }
0x5f: {  	[tilespmem:s21], [sflag:$0x1] =	stream.indirect.gather [spmem:s2], $0x80, s1, s15, $0xb8;
	[tilespmem:$0x14000] =	vst v63  }
0x60: {  	_ =	swait.ge [sflag:s18], $0x5000  }
0x61: {  	[sflag:s18] =	ssyncset.done $0x0  }
0x62: {  	[sflag:s18] =	ssyncadd.s32 $0xFFFFB000  }
0x63: {  	s30 =	sadd.s32 $0x1, s30;
	_ =	swait.ge [sflag:s19], $0x2800  }
0x64: {  	p1 =	sne.s32 s30, $0x1F;
	[sflag:s19] =	ssyncset.done $0x0  }
.Ltmp4:
0x65: {  	[sflag:s19] =	ssyncadd.s32 $0xFFFFD800;
	(pc) =	sbr.rel @!p1 .LBB2_10-.Ltmp4, $4  }
0x66: {  	s25 =	sadd.s32 $0x140, s25;
	_ =	swait.ge [sflag:s19], $0x2800  }
0x67: {  	s26 =	sadd.s32 $0x140, s26;
	s28 =	sadd.s32 $0x140, s28;
	[sflag:s19] =	ssyncset.done $0x0  }
0x68: {  	s29 =	sadd.s32 $0x140, s29;
	s31 =	sadd.s32 $0xA00, s5;
	[sflag:s19] =	ssyncadd.s32 $0xFFFFD800  }
0x69: {  	[hbm4b:s31+s3] =	stream.linear.scatter [tilespmem:s20], [sflag:$0x2], $0x5000, $0x38;
	[tilespmem:$0x14000] =	vst v63  }
.LBB2_4:
0x6a: {  	s31 =	smul.u32 $0x140, s30  }
0x6b: {  	s13 =	smul.u32 $0x500, s30;
	p1 =	seq.s32 s30, $0x1E  }
.Ltmp5:
0x6c: {  	s1 =	sadd.s32 $0x7680, s31;
	(pc) =	sbr.rel @p1 .LBB2_8-.Ltmp5, $4  }
0x6d: {  	[tilespmem:s16], [sflag:$0x1] =	stream.indirect.gather [spmem:s2], $0x80, s1, s15, $0xb8;
	[tilespmem:$0x14000] =	vst v63  }
0x6e: {  	s1 =	sshra.s32 s13, $0x2  }
0x6f: {  	s13 =	sadd.s32 $0x76D0, s1  }
0x70: {  	[tilespmem:s17], [sflag:$0x1] =	stream.indirect.gather [spmem:s2], $0x80, s13, s15, $0xb8;
	[tilespmem:$0x14000] =	vst v63  }
0x71: {  	s22 =	sshra.s32 s24, $0x2  }
0x72: {  	s13 =	sadd.s32 s22, s25  }
0x73: {  	s5 =	sadd.s32 s22, s26;
	v0 =	vld [tilespmem:s13+$0x0]  }
0x74: {  	v1 =	vld [tilespmem:s5+$0x0]  }
0x75: {  	s14 =	sadd.s32 s22, s28  }
0x76: {  	v2 =	vld [tilespmem:s14+$0x0];
	_ =	sdelay $0x1  }
0x77: {  	v0 =	vmul.u32 $0xC, v0  }
0x78: {  	v1 =	vshll.u32 v1, $0x1  }
0x79: {  	s14 =	sadd.s32 $0x40, s24;
	v0 =	vadd.s32 v0, v1  }
0x7a: {  	s22 =	sadd.s32 s22, s29;
	s13 =	sshra.s32 s14, $0x2;
	s14 =	sadd.s32 $0x40, s14;
	v0 =	vadd.s32 v2, v0  }
.LBB2_6:
0x7b: {  	p1 =	sne.s32 s14, $0x4C0;
	s5 =	sadd.s32 s13, s25;
	[tilespmem:s22+$0x0] =	vst v0  }
0x7c: {  	v0 =	vld [tilespmem:s5+$0x0];
	s5 =	sadd.s32 s13, s26  }
0x7d: {  	v1 =	vld [tilespmem:s5+$0x0]  }
0x7e: {  	s5 =	sadd.s32 s13, s28  }
0x7f: {  	v2 =	vld [tilespmem:s5+$0x0]  }
.Ltmp6:
0x80: {  	(pc) =	sbr.rel @p1 .LBB2_6-.Ltmp6, $4  }
0x81: {  	v0 =	vmul.u32 $0xC, v0  }
0x82: {  	v1 =	vshll.u32 v1, $0x1  }
0x83: {  	v0 =	vadd.s32 v0, v1  }
0x84: {  	s22 =	sadd.s32 s13, s29;
	s13 =	sshra.s32 s14, $0x2;
	s14 =	sadd.s32 $0x40, s14;
	v0 =	vadd.s32 v2, v0  }
0x85: {  	s5 =	sadd.s32 s13, s25;
	[tilespmem:s22+$0x0] =	vst v0  }
0x86: {  	s22 =	sadd.s32 s13, s26;
	v0 =	vld [tilespmem:s5+$0x0]  }
0x87: {  	v1 =	vld [tilespmem:s22+$0x0]  }
0x88: {  	s14 =	sadd.s32 s13, s28  }
0x89: {  	v2 =	vld [tilespmem:s14+$0x0]  }
0x8a: {  	p1 =	seq.s32 s30, $0x0  }
.Ltmp7:
0x8b: {  	v0 =	vmul.u32 $0xC, v0;
	(pc) =	sbr.rel @!p1 .LBB2_8-.Ltmp7, $4  }
.Ltmp8:
0x8c: {  	v1 =	vshll.u32 v1, $0x1;
	(pc) =	sbr.rel @p1 .LBB2_9-.Ltmp8, $4  }
0x8d: {  	v0 =	vadd.s32 v0, v1  }
0x8e: {  	s22 =	sadd.s32 s13, s29;
	v0 =	vadd.s32 v2, v0  }
0x8f: {  	[tilespmem:s22+$0x0] =	vst v0  }
0x90: {  	_ = 	snop  }
.LBB2_11:
0x91: {  	_ =	sfence.sel $0x180000  }
0x92: {  	[bflag:$0x0] =	sbarrier.arrive $0xFFFF  }
0x93: {  	_ =	strace $0x90000047  }
0x94: {  	[bflag:$0x2] =	sbarrier.arrive $0xFFFF  }
0x95: {  	s0 =	rddreg [dreg:$0x3]  }
0x96: {  	s0 =	sadd.s32 @!p0 $0x100000, s0  }
0x97: {  	[sflag:s0] =	ssyncadd.tile.s32 @!p0 $0x1;
	_ =	shalt  }
.Lfunc_end2:
_tile_overlayer_lowered:
.L_overlay_start_2:
0x98: {  	(tag) =	ssettag $0x2  }
0x99: {  	s0 =	rddreg [dreg:$0x0];
	s2 =	stileid.u32  }
0x9a: {  	s1 =	rddreg [dreg:$0x1];
	p0 =	sne.s32 s2, $0x0  }
0x9b: {  	s3 =	rddreg [dreg:$0x2];
	[bflag:$0x3] =	sbarrier.arrive $0xFFFF;
	s2 =	simm.s32 @!p0 $0x1C03  }
0x9c: {  	[timem:s3], [sflag:s2] =	dma.local @!p0 [hbm:s0], s1  }
0x9d: {  	s0 =	simm.s32 @!p0 $0x3  }
0x9e: {  	_ =	swait.ge @!p0 [sflag:s0], s1  }
0x9f: {  	s1 =	ssub.s32 @!p0 $0x0, s1;
	[sflag:s0] =	ssyncset.done @!p0 $0x0  }
0xa0: {  	[sflag:s0] =	ssyncadd.s32 @!p0 s1  }
0xa1: {  	[bflag:$0x3] =	sbarrier.arrive $0xFFFF  }
0xa2: {  	_ =	shalt  }

</sc_bundles>
